<compile_context>
chip_gen: v7x
topology: tpu7x:2x2x1
jax: 0.10.2.dev20260603
libtpu: 0.0.44.dev20260713+nightly
codegen_flags: <defaults>
</compile_context>

<pallas_src>
import functools

import jax
import jax.numpy as jnp
import numpy as np
from jax import lax
from jax.experimental import pallas as pl
from jax.experimental.pallas import tpu as pltpu
from jax.experimental.pallas import tpu_sc as plsc

_NC = 2
_NS = 16
_NW = _NC * _NS
_LANES = 16


def _tc_body(e_ref, w_ref, b_ref, v_ref, lse_ref, m_s, s_s):
    j = pl.program_id(0)
    v = jnp.dot(e_ref[...], w_ref[...], preferred_element_type=jnp.float32)
    v = v + b_ref[...]
    v_ref[...] = v
    bm = jnp.max(v)
    prev_m = jnp.where(j == 0, -jnp.inf, m_s[0])
    prev_s = jnp.where(j == 0, 0.0, s_s[0])
    new_m = jnp.maximum(prev_m, bm)
    new_s = prev_s * jnp.exp(prev_m - new_m) + jnp.sum(jnp.exp(v - new_m))
    m_s[0] = new_m
    s_s[0] = new_s

    @pl.when(j == pl.num_programs(0) - 1)
    def _():
        lse_ref[0, 0] = new_m + jnp.log(new_s)


def _tc_logits_lse(e, W, b2):
    D, K = W.shape
    blk = 1024
    grid = (K // blk,)
    return pl.pallas_call(
        _tc_body,
        grid=grid,
        in_specs=[
            pl.BlockSpec((1, D), lambda j: (0, 0)),
            pl.BlockSpec((D, blk), lambda j: (0, j)),
            pl.BlockSpec((1, blk), lambda j: (0, j)),
        ],
        out_specs=[
            pl.BlockSpec((1, blk), lambda j: (0, j)),
            pl.BlockSpec((1, 1), lambda j: (0, 0), memory_space=pltpu.SMEM),
        ],
        out_shape=[
            jax.ShapeDtypeStruct((1, K), jnp.float32),
            jax.ShapeDtypeStruct((1, 1), jnp.float32),
        ],
        scratch_shapes=[
            pltpu.SMEM((1,), jnp.float32),
            pltpu.SMEM((1,), jnp.float32),
        ],
    )(e, W, b2)


def _sc_body(idx_hbm, mask_hbm, v_hbm, out_hbm, idx_v, m_v, v_v, o_v):
    c = lax.axis_index("c")
    s = lax.axis_index("s")
    wid = s * _NC + c
    chunk = 512
    base = wid * chunk
    base_m = (wid % 2) * chunk
    pltpu.sync_copy(idx_hbm.at[pl.ds(base, chunk)], idx_v)
    pltpu.sync_copy(mask_hbm.at[pl.ds(base_m, chunk)], m_v)
    pltpu.sync_copy(v_hbm, v_v)

    def body(i, acc):
        ii = i * _LANES
        idx = idx_v[pl.ds(ii, _LANES)]
        mm = m_v[pl.ds(ii, _LANES)]
        vals = plsc.load_gather(v_v, [idx])
        return acc + mm * vals

    acc = lax.fori_loop(0, chunk // _LANES, body, jnp.zeros((_LANES,), jnp.float32))
    o_v[0, :] = acc
    pltpu.sync_copy(o_v, out_hbm.at[pl.ds(wid, 1)])


def _sc_masked_gather_sum(flat_idx, mask_cols, v_flat):
    K = v_flat.shape[0]
    mesh = plsc.VectorSubcoreMesh(core_axis_name="c", subcore_axis_name="s")
    fn = functools.partial(
        pl.kernel,
        mesh=mesh,
        compiler_params=pltpu.CompilerParams(needs_layout_passes=False),
        out_type=jax.ShapeDtypeStruct((_NW, _LANES), jnp.float32),
        scratch_types=[
            pltpu.VMEM((512,), jnp.int32),
            pltpu.VMEM((512,), jnp.float32),
            pltpu.VMEM((K,), jnp.float32),
            pltpu.VMEM((1, _LANES), jnp.float32),
        ],
    )(_sc_body)
    return fn(flat_idx, mask_cols, v_flat)


def kernel(indices, embed, W, b):
    Bb, Hh, Ww = indices.shape
    L = Hh * Ww
    D, K = W.shape
    num_masked = int(np.cos(0.5 * np.pi / 2) * L)
    perm = jax.random.permutation(jax.random.key(42), L)
    mask_idx = perm[:num_masked]
    mask_cols = jnp.zeros((L,), jnp.float32).at[mask_idx].set(1.0)

    e = lax.slice(embed, (K, 0), (K + 1, D))
    b2 = b.reshape(1, K)
    v, lse = _tc_logits_lse(e, W, b2)

    flat_idx = indices.reshape(-1)
    partials = _sc_masked_gather_sum(flat_idx, mask_cols, v.reshape(K))
    total = jnp.sum(partials)
    return lse[0, 0] - total / (Bb * num_masked)

# --- scband reference (transcript-rebuilt; emitter-appended) ---
"""Pipeline reference for scband-mask-git-diffusion-90752658965211 (READ-ONLY COPY).

The authoritative reference and input builder live on the scoring server;
editing this copy changes nothing except your own understanding.
"""

import jax, jax.numpy as jnp
import numpy as np

B, H, W_, K, D = 16, 32, 32, 8192, 512


def setup_inputs(seed: int = 0) -> dict:
    key = jax.random.key(seed)
    k1, k2, k3 = jax.random.split(key, 3)
    indices = jax.random.randint(k1, (B, H, W_), 0, K, dtype=jnp.int32)
    # Stand-in token-wise model: embedding over K+1 tokens (incl. mask token) + linear head to K logits.
    embed = jax.random.normal(k2, (K + 1, D), dtype=jnp.float32) * 0.02
    W = jax.random.normal(k3, (D, K), dtype=jnp.float32) * 0.02
    b = jnp.zeros((K,), dtype=jnp.float32)
    return {"indices": indices, "embed": embed, "W": W, "b": b}


def reference(indices, embed, W, b):
    num_classes = K
    Bb, Hh, Ww = indices.shape
    L = Hh * Ww
    # torch.rand(1).item() -> fixed draw for determinism
    r = 0.5
    num_masked = int(np.cos(r * np.pi / 2) * L)
    # torch.randperm(h*w)[:num_masked]
    perm = jax.random.permutation(jax.random.key(42), L)
    mask_idx = perm[:num_masked]
    flat = indices.reshape(Bb, L)
    # masked_indices[mask] = num_classes (same columns masked for every batch row)
    masked = flat.at[:, mask_idx].set(num_classes)
    # model forward: embedding gather + per-token linear head -> logits (B, L, K)
    x = jnp.take(embed, masked, axis=0)
    logits = jnp.einsum('bld,dk->blk', x, W) + b
    # F.cross_entropy on masked positions only
    sel_logits = jnp.take(logits, mask_idx, axis=1).reshape(-1, num_classes)
    targets = jnp.take(flat, mask_idx, axis=1).reshape(-1)
    logp = jax.nn.log_softmax(sel_logits, axis=-1)
    nll = -jnp.take_along_axis(logp, targets[:, None], axis=1)[:, 0]
    loss = jnp.mean(nll)
    return loss

if __name__ == "__main__":
    import jax
    _d = setup_inputs()
    print(jax.jit(kernel)(*tuple(_d.values())))

</pallas_src>

<mosaic_0001>
#map = affine_map<(d0, d1) -> (0)>
#map1 = affine_map<(d0, d1) -> (0, 0)>
module attributes {stable_mosaic.version = 14 : i64} {
  func.func @_sc_body(%arg0: i32, %arg1: i32, %arg2: memref<16384xi32, #tpu.memory_space<hbm>>, %arg3: memref<1024xf32, #tpu.memory_space<hbm>>, %arg4: memref<8192xf32, #tpu.memory_space<hbm>>, %arg5: memref<32x16xf32, #tpu.memory_space<hbm>>, %arg6: memref<512xi32, #tpu.memory_space<vmem>>, %arg7: memref<512xf32, #tpu.memory_space<vmem>>, %arg8: memref<8192xf32, #tpu.memory_space<vmem>>, %arg9: memref<1x16xf32, #tpu.memory_space<vmem>>) attributes {dimension_semantics = [#tpu.dimension_semantics<core_parallel>, #tpu.dimension_semantics<subcore_parallel>], iteration_bounds = array<i64: 2, 16>, scalar_prefetch = 0 : i64, scratch_operands = 4 : i64, tpu.core_type = #tpu.core_type<sc_vector_subcore>, window_params = [{transform_indices = #map}, {transform_indices = #map}, {transform_indices = #map}, {transform_indices = #map1}]} {
    %mul3A = arith.constant 2 : i32
    %mul3A_0 = arith.muli %arg1, %mul3A : i32
    %add3A = arith.addi %mul3A_0, %arg0 : i32
    %mul3A_1 = arith.constant 512 : i32
    %mul3A_2 = arith.muli %add3A, %mul3A_1 : i32
    %jit3A = arith.constant 2 : i32
    %eq3A = arith.constant 0 : i32
    %eq3A_3 = arith.cmpi eq, %jit3A, %eq3A : i32
    %jit3A_4 = arith.constant 1 : i32
    %select_n3A = arith.select %eq3A_3, %jit3A_4, %jit3A : i32
    %rem3A = arith.remsi %add3A, %select_n3A : i32
    %ne3A = arith.constant 0 : i32
    %ne3A_5 = arith.cmpi ne, %rem3A, %ne3A : i32
    %lt3A = arith.constant 0 : i32
    %lt3A_6 = arith.cmpi slt, %rem3A, %lt3A : i32
    %lt3A_7 = arith.constant 0 : i32
    %lt3A_8 = arith.cmpi slt, %select_n3A, %lt3A_7 : i32
    %ne3A_9 = arith.xori %lt3A_6, %lt3A_8 : i1
    %and3A = arith.andi %ne3A_9, %ne3A_5 : i1
    %add3A_10 = arith.addi %rem3A, %select_n3A : i32
    %select_n3A_11 = arith.select %and3A, %add3A_10, %rem3A : i32
    %mul3A_12 = arith.constant 512 : i32
    %mul3A_13 = arith.muli %select_n3A_11, %mul3A_12 : i32
    "tpu.region"() ({
      %run_scoped3A = tpu.sem_alloc : memref<!tpu.dma_semaphore, #tpu.memory_space<semaphore_mem>>
      %dma_start3A = tpu.memref_slice %arg2[%mul3A_2] : memref<16384xi32, #tpu.memory_space<hbm>> -> memref<512xi32, #tpu.memory_space<hbm>>
      %dma_start3A_23 = tpu.memref_slice %arg2[%mul3A_2] : memref<16384xi32, #tpu.memory_space<hbm>> -> memref<512xi32, #tpu.memory_space<hbm>>
      tpu.enqueue_dma source(%dma_start3A_23 : memref<512xi32, #tpu.memory_space<hbm>>) target(%arg6 : memref<512xi32, #tpu.memory_space<vmem>>) target_semaphore(%run_scoped3A : memref<!tpu.dma_semaphore, #tpu.memory_space<semaphore_mem>>)
      %dma_wait3A = tpu.memref_slice %arg2[%mul3A_2] : memref<16384xi32, #tpu.memory_space<hbm>> -> memref<512xi32, #tpu.memory_space<hbm>>
      %dma_wait3A_24 = tpu.memref_slice %arg2[%mul3A_2] : memref<16384xi32, #tpu.memory_space<hbm>> -> memref<512xi32, #tpu.memory_space<hbm>>
      tpu.wait_dma2 semaphore(%run_scoped3A : memref<!tpu.dma_semaphore, #tpu.memory_space<semaphore_mem>>) src(%dma_wait3A_24 : memref<512xi32, #tpu.memory_space<hbm>>) dst(%arg6 : memref<512xi32, #tpu.memory_space<vmem>>)
      tpu.yield
    }) : () -> ()
    "tpu.region"() ({
      %run_scoped3A = tpu.sem_alloc : memref<!tpu.dma_semaphore, #tpu.memory_space<semaphore_mem>>
      %dma_start3A = tpu.memref_slice %arg3[%mul3A_13] : memref<1024xf32, #tpu.memory_space<hbm>> -> memref<512xf32, #tpu.memory_space<hbm>>
      %dma_start3A_23 = tpu.memref_slice %arg3[%mul3A_13] : memref<1024xf32, #tpu.memory_space<hbm>> -> memref<512xf32, #tpu.memory_space<hbm>>
      tpu.enqueue_dma source(%dma_start3A_23 : memref<512xf32, #tpu.memory_space<hbm>>) target(%arg7 : memref<512xf32, #tpu.memory_space<vmem>>) target_semaphore(%run_scoped3A : memref<!tpu.dma_semaphore, #tpu.memory_space<semaphore_mem>>)
      %dma_wait3A = tpu.memref_slice %arg3[%mul3A_13] : memref<1024xf32, #tpu.memory_space<hbm>> -> memref<512xf32, #tpu.memory_space<hbm>>
      %dma_wait3A_24 = tpu.memref_slice %arg3[%mul3A_13] : memref<1024xf32, #tpu.memory_space<hbm>> -> memref<512xf32, #tpu.memory_space<hbm>>
      tpu.wait_dma2 semaphore(%run_scoped3A : memref<!tpu.dma_semaphore, #tpu.memory_space<semaphore_mem>>) src(%dma_wait3A_24 : memref<512xf32, #tpu.memory_space<hbm>>) dst(%arg7 : memref<512xf32, #tpu.memory_space<vmem>>)
      tpu.yield
    }) : () -> ()
    "tpu.region"() ({
      %run_scoped3A = tpu.sem_alloc : memref<!tpu.dma_semaphore, #tpu.memory_space<semaphore_mem>>
      tpu.enqueue_dma source(%arg4 : memref<8192xf32, #tpu.memory_space<hbm>>) target(%arg8 : memref<8192xf32, #tpu.memory_space<vmem>>) target_semaphore(%run_scoped3A : memref<!tpu.dma_semaphore, #tpu.memory_space<semaphore_mem>>)
      tpu.wait_dma2 semaphore(%run_scoped3A : memref<!tpu.dma_semaphore, #tpu.memory_space<semaphore_mem>>) src(%arg4 : memref<8192xf32, #tpu.memory_space<hbm>>) dst(%arg8 : memref<8192xf32, #tpu.memory_space<vmem>>)
      tpu.yield
    }) : () -> ()
    %broadcast_in_dim3A = arith.constant 0.000000e+00 : f32
    %broadcast_in_dim3A_14 = vector.broadcast %broadcast_in_dim3A : f32 to vector<16xf32>
    %scan3A = arith.constant 0 : i32
    %scan3A_15 = arith.constant 32 : i32
    %scan3A_16 = arith.addi %scan3A, %scan3A_15 : i32
    %scan3A_17 = arith.constant 1 : i32
    %scan3A_18 = scf.for %scan3A_23 = %scan3A to %scan3A_16 step %scan3A_17 iter_args(%scan3A_24 = %broadcast_in_dim3A_14) -> (vector<16xf32>)  : i32 {
      %mul3A_25 = arith.constant 16 : i32
      %mul3A_26 = arith.muli %scan3A_23, %mul3A_25 : i32
      %get3A = arith.index_cast %mul3A_26 : i32 to index
      %get3A_27 = tpu.vector_load %arg6[%get3A] {strides = array<i32>} : memref<512xi32, #tpu.memory_space<vmem>>, vector<16xi32>,
      %get3A_28 = arith.index_cast %mul3A_26 : i32 to index
      %get3A_29 = tpu.vector_load %arg7[%get3A_28] {strides = array<i32>} : memref<512xf32, #tpu.memory_space<vmem>>, vector<16xf32>,
      %gather3A = tpu.vector_load_idx %arg8[%get3A_27] : memref<8192xf32, #tpu.memory_space<vmem>>[vector<16xi32>], vector<16xf32>,
      %mul3A_30 = arith.mulf %get3A_29, %gather3A : vector<16xf32>
      %add3A_31 = arith.addf %scan3A_24, %mul3A_30 : vector<16xf32>
      scf.yield %add3A_31 : vector<16xf32>
    }
    %scan3A_19 = arith.constant 32 : i32
    %swap3A = arith.constant 0 : i32
    %swap3A_20 = arith.index_cast %swap3A : i32 to index
    %swap3A_21 = arith.constant 0 : index
    %swap3A_22 = tpu.vector_load %arg9[%swap3A_20, %swap3A_21] {strides = array<i32>} : memref<1x16xf32, #tpu.memory_space<vmem>>, vector<16xf32>,
    tpu.vector_store %arg9[%swap3A_20, %swap3A_21], %scan3A_18 {strides = array<i32>} : memref<1x16xf32, #tpu.memory_space<vmem>>, vector<16xf32>,
    "tpu.region"() ({
      %run_scoped3A = tpu.sem_alloc : memref<!tpu.dma_semaphore, #tpu.memory_space<semaphore_mem>>
      %dma_start3A = arith.constant 0 : i32
      %dma_start3A_23 = tpu.memref_slice %arg5[%add3A, %dma_start3A] : memref<32x16xf32, #tpu.memory_space<hbm>> -> memref<1x16xf32, #tpu.memory_space<hbm>>
      %dma_start3A_24 = arith.constant 0 : i32
      %dma_start3A_25 = tpu.memref_slice %arg5[%add3A, %dma_start3A_24] : memref<32x16xf32, #tpu.memory_space<hbm>> -> memref<1x16xf32, #tpu.memory_space<hbm>>
      tpu.enqueue_dma source(%arg9 : memref<1x16xf32, #tpu.memory_space<vmem>>) target(%dma_start3A_25 : memref<1x16xf32, #tpu.memory_space<hbm>>) target_semaphore(%run_scoped3A : memref<!tpu.dma_semaphore, #tpu.memory_space<semaphore_mem>>)
      %dma_wait3A = arith.constant 0 : i32
      %dma_wait3A_26 = tpu.memref_slice %arg5[%add3A, %dma_wait3A] : memref<32x16xf32, #tpu.memory_space<hbm>> -> memref<1x16xf32, #tpu.memory_space<hbm>>
      %dma_wait3A_27 = arith.constant 0 : i32
      %dma_wait3A_28 = tpu.memref_slice %arg5[%add3A, %dma_wait3A_27] : memref<32x16xf32, #tpu.memory_space<hbm>> -> memref<1x16xf32, #tpu.memory_space<hbm>>
      tpu.wait_dma2 semaphore(%run_scoped3A : memref<!tpu.dma_semaphore, #tpu.memory_space<semaphore_mem>>) src(%arg9 : memref<1x16xf32, #tpu.memory_space<vmem>>) dst(%dma_wait3A_28 : memref<1x16xf32, #tpu.memory_space<hbm>>)
      tpu.yield
    }) : () -> ()
    return
  }
}

module attributes {stable_mosaic.version = 14 : i64} {
  func.func @_tc_body(%arg0: i32, %arg1: memref<1x512xf32, #tpu.memory_space<vmem>>, %arg2: memref<512x1024xf32, #tpu.memory_space<vmem>>, %arg3: memref<1x1024xf32, #tpu.memory_space<vmem>>, %arg4: memref<1x1024xf32, #tpu.memory_space<vmem>>, %arg5: memref<1x1xf32, #tpu.memory_space<smem>>, %arg6: memref<1xf32, #tpu.memory_space<smem>>, %arg7: memref<1xf32, #tpu.memory_space<smem>>) attributes {dimension_semantics = [#tpu.dimension_semantics<arbitrary>], iteration_bounds = array<i64: 8>, scalar_prefetch = 0 : i64, scratch_operands = 2 : i64, tpu.core_type = #tpu.core_type<tc>, window_params = [{pipeline_mode = #tpu.pipeline_mode<synchronous>, transform_indices = @transform_0, window_bounds = array<i64: 1, 512>}, {transform_indices = @transform_1, window_bounds = array<i64: 512, 1024>}, {transform_indices = @transform_2, window_bounds = array<i64: 1, 1024>}, {transform_indices = @transform_3, window_bounds = array<i64: 1, 1024>}, {transform_indices = @transform_4, window_bounds = array<i64: 1, 1>}]} {
    %get3A = arith.constant 0 : index
    %get3A_0 = arith.constant 0 : index
    %get3A_1 = vector.load %arg1[%get3A, %get3A_0] : memref<1x512xf32, #tpu.memory_space<vmem>>, vector<1x512xf32>
    %get3A_2 = arith.constant 0 : index
    %get3A_3 = arith.constant 0 : index
    %get3A_4 = vector.load %arg2[%get3A_2, %get3A_3] : memref<512x1024xf32, #tpu.memory_space<vmem>>, vector<512x1024xf32>
    %dot_general3A = arith.constant dense<0.000000e+00> : vector<1x1024xf32>
    %dot_general3A_5 = tpu.matmul %get3A_1, %get3A_4, %dot_general3A {dimension_numbers = #tpu.dot_dimension_numbers<[1], [0], [0], [1], [0, 0, 1, 1], [], []>, transpose_lhs_hint = false} : vector<1x512xf32>, vector<512x1024xf32>, vector<1x1024xf32> -> vector<1x1024xf32>
    %get3A_6 = arith.constant 0 : index
    %get3A_7 = arith.constant 0 : index
    %get3A_8 = vector.load %arg3[%get3A_6, %get3A_7] : memref<1x1024xf32, #tpu.memory_space<vmem>>, vector<1x1024xf32>
    %add3A = arith.addf %dot_general3A_5, %get3A_8 : vector<1x1024xf32>
    %swap3A = arith.constant 0 : index
    %swap3A_9 = arith.constant 0 : index
    %swap3A_10 = vector.load %arg4[%swap3A, %swap3A_9] : memref<1x1024xf32, #tpu.memory_space<vmem>>, vector<1x1024xf32>
    tpu.vector_store %arg4[%swap3A, %swap3A_9], %add3A {strides = array<i32>} : memref<1x1024xf32, #tpu.memory_space<vmem>>, vector<1x1024xf32>,
    %reduce_max3A = vector.shape_cast %add3A : vector<1x1024xf32> to vector<1x1x1024xf32>
    %reduce_max3A_11 = arith.constant dense<0xFF800000> : vector<1xf32>
    %reduce_max3A_12 = vector.multi_reduction <maximumf>, %reduce_max3A, %reduce_max3A_11 [1, 2] : vector<1x1x1024xf32> to vector<1xf32>
    %reduce_max3A_13 = vector.shape_cast %reduce_max3A_12 : vector<1xf32> to vector<1x1x1xf32>
    %reduce_max3A_14 = vector.extract %reduce_max3A_13[0, 0, 0] : f32 from vector<1x1x1xf32>
    %eq3A = arith.constant 0 : i32
    %eq3A_15 = arith.cmpi eq, %arg0, %eq3A : i32
    %get3A_16 = arith.constant 0 : index
    %get3A_17 = memref.load %arg6[%get3A_16] : memref<1xf32, #tpu.memory_space<smem>>
    %jit3A = arith.constant 0xFF800000 : f32
    %select_n3A = arith.select %eq3A_15, %jit3A, %get3A_17 : f32
    %eq3A_18 = arith.constant 0 : i32
    %eq3A_19 = arith.cmpi eq, %arg0, %eq3A_18 : i32
    %get3A_20 = arith.constant 0 : index
    %get3A_21 = memref.load %arg7[%get3A_20] : memref<1xf32, #tpu.memory_space<smem>>
    %jit3A_22 = arith.constant 0.000000e+00 : f32
    %select_n3A_23 = arith.select %eq3A_19, %jit3A_22, %get3A_21 : f32
    %max3A = arith.maximumf %select_n3A, %reduce_max3A_14 : f32
    %sub3A = arith.subf %select_n3A, %max3A : f32
    %exp3A = math.exp %sub3A : f32
    %mul3A = arith.mulf %select_n3A_23, %exp3A : f32
    %sub3A_24 = vector.broadcast %max3A : f32 to vector<1x1024xf32>
    %sub3A_25 = arith.subf %add3A, %sub3A_24 : vector<1x1024xf32>
    %exp3A_26 = math.exp %sub3A_25 : vector<1x1024xf32>
    %reduce_sum3A = vector.shape_cast %exp3A_26 : vector<1x1024xf32> to vector<1x1x1024xf32>
    %reduce_sum3A_27 = arith.constant dense<0.000000e+00> : vector<1xf32>
    %reduce_sum3A_28 = vector.multi_reduction <add>, %reduce_sum3A, %reduce_sum3A_27 [1, 2] : vector<1x1x1024xf32> to vector<1xf32>
    %reduce_sum3A_29 = vector.shape_cast %reduce_sum3A_28 : vector<1xf32> to vector<1x1x1xf32>
    %reduce_sum3A_30 = vector.extract %reduce_sum3A_29[0, 0, 0] : f32 from vector<1x1x1xf32>
    %add3A_31 = arith.addf %mul3A, %reduce_sum3A_30 : f32
    %swap3A_32 = arith.constant 0 : index
    %swap3A_33 = memref.load %arg6[%swap3A_32] : memref<1xf32, #tpu.memory_space<smem>>
    memref.store %max3A, %arg6[%swap3A_32] : memref<1xf32, #tpu.memory_space<smem>>
    %swap3A_34 = arith.constant 0 : index
    %swap3A_35 = memref.load %arg7[%swap3A_34] : memref<1xf32, #tpu.memory_space<smem>>
    memref.store %add3A_31, %arg7[%swap3A_34] : memref<1xf32, #tpu.memory_space<smem>>
    %eq3A_36 = arith.constant 7 : i32
    %eq3A_37 = arith.cmpi eq, %arg0, %eq3A_36 : i32
    %convert_element_type3A = arith.extui %eq3A_37 : i1 to i32
    %cond3A = arith.constant 0 : i32
    %cond3A_38 = arith.cmpi ne, %convert_element_type3A, %cond3A : i32
    scf.if %cond3A_38 {
      %log3A = math.log %add3A_31 : f32
      %add3A_39 = arith.addf %max3A, %log3A : f32
      %swap3A_40 = arith.constant 0 : index
      %swap3A_41 = arith.constant 0 : index
      %swap3A_42 = memref.load %arg5[%swap3A_40, %swap3A_41] : memref<1x1xf32, #tpu.memory_space<smem>>
      memref.store %add3A_39, %arg5[%swap3A_40, %swap3A_41] : memref<1x1xf32, #tpu.memory_space<smem>>
    } else {
    }
    return
  }
  func.func @transform_0(%arg0: i32) -> (i32, i32) {
    %c0_i32 = arith.constant 0 : i32
    %c0_i32_0 = arith.constant 0 : i32
    %c0_i32_1 = arith.constant 0 : i32
    return %c0_i32, %c0_i32_0 : i32, i32
  }
  func.func @transform_1(%arg0: i32) -> (i32, i32) {
    %c0_i32 = arith.constant 0 : i32
    %c0_i32_0 = arith.constant 0 : i32
    return %c0_i32, %arg0 : i32, i32
  }
  func.func @transform_2(%arg0: i32) -> (i32, i32) {
    %c0_i32 = arith.constant 0 : i32
    %c0_i32_0 = arith.constant 0 : i32
    return %c0_i32, %arg0 : i32, i32
  }
  func.func @transform_3(%arg0: i32) -> (i32, i32) {
    %c0_i32 = arith.constant 0 : i32
    %c0_i32_0 = arith.constant 0 : i32
    return %c0_i32, %arg0 : i32, i32
  }
  func.func @transform_4(%arg0: i32) -> (i32, i32) {
    %c0_i32 = arith.constant 0 : i32
    %c0_i32_0 = arith.constant 0 : i32
    %c0_i32_1 = arith.constant 0 : i32
    return %c0_i32, %c0_i32_0 : i32, i32
  }
}

</mosaic_0001>

<sc_bundles>
// kernel: kernel.4.cloned.1.call-start
scs
__scs_entry_jumppad:
0x0: {  	(pc) =	sbr.rel $0x88, $3  }
0x1: {  	(tag) =	ssettag $0x0;
	lr =	simm.s32 $0x1  }
0x2: {  	[smem:$0x3F9D] =	sst lr;
	_ =	strace $0xD0000000  }
0x3: {  	_ = 	snop  }
0x4: {  	_ = 	snop  }
0x5: {  	_ = 	snop  }
0x6: {  	_ = 	snop  }
0x7: {  	_ = 	snop  }
__scs_overlays_trampoline_lowered:
0x8: {  	[smem:$0x3FAC] =	sst s0  }
0x9: {  	[smem:$0x3FAD] =	sst s1  }
0xa: {  	[smem:$0x3FAE] =	sst s2  }
0xb: {  	[smem:$0x3FAF] =	sst s3  }
0xc: {  	[smem:$0x3FB0] =	sst s4  }
0xd: {  	[smem:$0x3FB1] =	sst s5  }
0xe: {  	[smem:$0x3FB2] =	sst s6  }
0xf: {  	[smem:$0x3FB3] =	sst s7  }
0x10: {  	[smem:$0x3FB4] =	sst s8  }
0x11: {  	[smem:$0x3FB5] =	sst s9;
	s0 =	simm.s32 @!p0 $0x0  }
0x12: {  	s1 =	sld [smem:$0x3F9B];
	s0 =	simm.s32 @p0 $0x1  }
0x13: {  	[smem:$0x3FB6] =	sst s0;
	s0 =	simm.s32 @!p1 $0x0  }
0x14: {  	s2 =	sld [smem:$0x3F9A];
	s0 =	simm.s32 @p1 $0x1  }
0x15: {  	[smem:$0x3FB7] =	sst s0;
	s0 =	simm.s32 @!p2 $0x0  }
0x16: {  	s3 =	sld [smem:$0x3FDB];
	s0 =	simm.s32 @p2 $0x1  }
0x17: {  	s4 =	simm.s32 $0x1BF5;
	[smem:$0x3FB9] =	sst s0  }
0x18: {  	s0 =	sld [smem:$0x3F9C];
	_ =	swait.ge [sflag:s4], $0x0  }
0x19: {  	s7 =	sld [smem:$0x3F9D]  }
0x1a: {  	s8 =	sadd.s32 $0xFFFFE003, lr  }
0x1b: {  	s9 =	sadd.s32 $0xFFFFFEF7, lr;
	s5 =	simm.s32 $0xFFFFFFFF;
	p2 =	slt.u32 s8, $0xFFFFF086  }
0x1c: {  	p1 =	slt.u32 s9, $0xF7A;
	s5 =	simm.s32 @!p2 $0x0  }
0x1d: {  	s5 =	simm.s32 @p1 $0x1;
	p0 =	seq.s32 s7, s2  }
0x1e: {  	s7 =	smul.u32 @!p0 $0xF7A, s2;
	p2 =	seq.s32 @!p0 s5, $0x0  }
0x1f: {  	s9 =	smul.u32 $0xF7A, s1;
	s8 =	simm.s32 @!p0 $0x1BF5;
	p2 =	por !p2, p0  }
0x20: {  	[sflag:s8] =	ssyncset.s32 @!p0 $0xFFFFF086;
	s6 =	sadd.s32 @!p0 s3, s7;
	s7 =	simm.s32 @!p0 $0x108  }
0x21: {  	s3 =	sadd.s32 s3, s9;
	s6 =	sadd.s32 @!p0 $0x88, s6;
	s7 =	simm.s32 @p2 $0x1082  }
0x22: {  	[simem:s7], [sflag:s8] =	dma.local @!p0 [hbm:s6], $0xF7A  }
0x23: {  	s9 =	sor.u32 $0xD0000000, s2;
	s6 =	simm.s32 $0x108;
	_ =	swait.ge @!p0 [sflag:s8], $0x0  }
0x24: {  	s3 =	sadd.s32 $0x88, s3;
	s6 =	simm.s32 @!p1 $0x1082;
	[sflag:s4] =	ssyncset.s32 $0xFFFFF086  }
0x25: {  	[simem:s6], [sflag:s4] =	dma.local [hbm:s3], $0xF7A  }
0x26: {  	[smem:$0x3F9D] =	sst s1;
	(tag) =	ssettag s2;
	_ =	strace s9  }
0x27: {  	s1 =	sld [smem:$0x3FAD]  }
0x28: {  	s2 =	sld [smem:$0x3FAE]  }
0x29: {  	s4 =	sld [smem:$0x3FB0]  }
0x2a: {  	p0 =	seq.s32 s5, $0x0;
	s5 =	sld [smem:$0x3FB1]  }
0x2b: {  	s6 =	sld [smem:$0x3FB2]  }
0x2c: {  	s7 =	sld [smem:$0x3FB3]  }
0x2d: {  	s3 =	simm.s32 $0x108;
	s8 =	sld [smem:$0x3FB4]  }
0x2e: {  	s3 =	simm.s32 @!p0 $0x1082;
	s9 =	sld [smem:$0x3FB5]  }
0x2f: {  	lr =	sadd.s32 s0, s3;
	s0 =	sld [smem:$0x3FAC]  }
0x30: {  	s3 =	sld [smem:$0x3FAF]  }
0x31: {  	[smem:$0x3FB8] =	sst s10  }
0x32: {  	s10 =	sld [smem:$0x3FB6];
	_ =	sdelay $0x3  }
0x33: {  	p0 =	seq.s32 s10, $0x1;
	s10 =	sld [smem:$0x3FB8];
	_ =	sdelay $0x3  }
0x34: {  	[smem:$0x3FB8] =	sst s10  }
0x35: {  	s10 =	sld [smem:$0x3FB7];
	_ =	sdelay $0x3  }
0x36: {  	p1 =	seq.s32 s10, $0x1;
	s10 =	sld [smem:$0x3FB8];
	_ =	sdelay $0x3  }
0x37: {  	[smem:$0x3FB8] =	sst s10  }
0x38: {  	s10 =	sld [smem:$0x3FB9]  }
0x39: {  	_ = 	snop;
	(pc) =	sbr.ind lr, $3  }
0x3a: {  	_ = 	snop  }
0x3b: {  	_ = 	snop  }
0x3c: {  	p2 =	seq.s32 s10, $0x1;
	s10 =	sld [smem:$0x3FB8]  }
0x3d: {  	_ =	shalt  }
0x3e: {  	_ =	shalt  }
0x3f: {  	_ =	shalt  }
0x40: {  	_ =	shalt  }
0x41: {  	_ =	shalt  }
0x42: {  	_ =	shalt  }
0x43: {  	_ =	shalt  }
0x44: {  	_ =	shalt  }
0x45: {  	_ =	shalt  }
0x46: {  	_ =	shalt  }
0x47: {  	_ =	shalt  }
0x48: {  	_ =	shalt  }
0x49: {  	_ =	shalt  }
0x4a: {  	_ =	shalt  }
0x4b: {  	_ =	shalt  }
0x4c: {  	_ =	shalt  }
0x4d: {  	_ =	shalt  }
0x4e: {  	_ =	shalt  }
0x4f: {  	_ =	shalt  }
0x50: {  	_ =	shalt  }
0x51: {  	_ =	shalt  }
0x52: {  	_ =	shalt  }
0x53: {  	_ =	shalt  }
0x54: {  	_ =	shalt  }
0x55: {  	_ =	shalt  }
0x56: {  	_ =	shalt  }
0x57: {  	_ =	shalt  }
0x58: {  	_ =	shalt  }
0x59: {  	_ =	shalt  }
0x5a: {  	_ =	shalt  }
0x5b: {  	_ =	shalt  }
0x5c: {  	_ =	shalt  }
0x5d: {  	_ =	shalt  }
0x5e: {  	_ =	shalt  }
0x5f: {  	_ =	shalt  }
0x60: {  	_ =	shalt  }
0x61: {  	_ =	shalt  }
0x62: {  	_ =	shalt  }
0x63: {  	_ =	shalt  }
0x64: {  	_ =	shalt  }
0x65: {  	_ =	shalt  }
0x66: {  	_ =	shalt  }
0x67: {  	_ =	shalt  }
0x68: {  	_ =	shalt  }
0x69: {  	_ =	shalt  }
0x6a: {  	_ =	shalt  }
0x6b: {  	_ =	shalt  }
0x6c: {  	_ =	shalt  }
0x6d: {  	_ =	shalt  }
0x6e: {  	_ =	shalt  }
0x6f: {  	_ =	shalt  }
0x70: {  	_ =	shalt  }
0x71: {  	_ =	shalt  }
0x72: {  	_ =	shalt  }
0x73: {  	_ =	shalt  }
0x74: {  	_ =	shalt  }
0x75: {  	_ =	shalt  }
0x76: {  	_ =	shalt  }
0x77: {  	_ =	shalt  }
0x78: {  	_ =	shalt  }
0x79: {  	_ =	shalt  }
0x7a: {  	_ =	shalt  }
0x7b: {  	_ =	shalt  }
0x7c: {  	_ =	shalt  }
0x7d: {  	_ =	shalt  }
0x7e: {  	_ =	shalt  }
0x7f: {  	_ =	shalt  }
0x80: {  	_ =	shalt  }
0x81: {  	_ =	shalt  }
0x82: {  	_ =	shalt  }
0x83: {  	_ =	shalt  }
0x84: {  	_ =	shalt  }
0x85: {  	_ =	shalt  }
0x86: {  	_ =	shalt  }
0x87: {  	_ =	shalt  }
.Lfunc_end0:
.L_simem_size_0:
called_computation_lowered:
.L_overlay_start_0:
0x88: {  	s2 =	sld [smem:$0x3FD9]  }
0x89: {  	s3 =	sld [smem:$0x3FFE];
	_ =	sdelay $0x1  }
0x8a: {  	s1 =	srdreg.scid  }
0x8b: {  	s0 =	sand.u32 $0x1, s1  }
0x8c: {  	s16 =	sshll.u32 s0, $0xA;
	s2 =	sadd.s32 s3, s2  }
0x8d: {  	s2 =	sadd.s32 s2, s16  }
0x8e: {  	[smem:$0x3FC4] =	sst s2  }
0x8f: {  	_ = 	snop  }
0x90: {  	(tm) =	ssettm $0x1  }
0x91: {  	s17 =	sld [smem:$0x3FFB];
	_ =	sdelay $0x3  }
0x92: {  	_ =	strace s17  }
0x93: {  	s2 =	sld [smem:$0x3FFC];
	_ =	sdelay $0x3  }
0x94: {  	_ =	strace s2  }
0x95: {  	s2 =	sld [smem:$0x3FFD];
	_ =	sdelay $0x3  }
0x96: {  	_ =	strace s2  }
0x97: {  	_ =	strace $0x8FFFFFFF  }
0x98: {  	s18 =	sld [smem:$0x3FDB];
	_ =	sdelay $0x1  }
0x99: {  	s19 =	simm.s32 $_scs_section_size  }
0x9a: {  	s4 =	simm.s32 $_size__tile_overlayer_lowered;
	s5 =	simm.s32 $_tile_overlayer_lowered  }
0x9b: {  	s22 =	simm.s32 $0x1BFF;
	s21 =	sshll.u32 s5, $0x1;
	s2 =	sadd.s32 s19, s18  }
0x9c: {  	s6 =	simm.s32 $0x0;
	s20 =	sshll.u32 s4, $0x1;
	s4 =	sadd.s32 s21, s2  }
0x9d: {  	[timem:s6], [sflag:s22] =	dma.local [hbm:s4], s20  }
0x9e: {  	_ =	swait.ge [sflag:s22], s20  }
0x9f: {  	s3 =	ssub.s32 $0x0, s20;
	[sflag:s22] =	ssyncset.done $0x0  }
0xa0: {  	[sflag:s22] =	ssyncadd.s32 s3;
	_ =	sdelay $0x1  }
0xa1: {  	s23 =	simm.s32 $0x1B8B  }
0xa2: {  	_ =	swait.ge [sflag:s23], $0x1  }
0xa3: {  	[sflag:s23] =	ssyncset.done $0x0  }
0xa4: {  	s25 =	simm.s32 $0x1B8E;
	s24 =	sld [smem:$0x3FFE];
	[sflag:s23] =	ssyncadd.s32 $0xFFFFFFFF  }
0xa5: {  	s26 =	simm.s32 $execute0_lowered;
	[smem:$0x3FD2] =	sst s25  }
0xa6: {  	s4 =	sshll.u32 s26, $0x1;
	_ =	strace $0x80000046;
	[dreg:$0x1] =	wrdreg $0xFFFFFFFF  }
0xa7: {  	s28 =	simm.s32 $_size_execute0_lowered;
	s2 =	sadd.s32 s2, s4;
	[dreg:$0x0] =	wrdreg $0x0  }
0xa8: {  	s4 =	sshll.u32 s28, $0x1;
	[dreg:$0x2] =	wrdreg s2  }
0xa9: {  	[dreg:$0x3] =	wrdreg s4  }
0xaa: {  	[dreg:$0x4] =	wrdreg $0xC0  }
0xab: {  	_ =	task [dreg:s6], $0x5FFFF  }
0xac: {  	[dreg:$0x1] =	wrdreg $0xFFFFFFFF  }
0xad: {  	[dreg:$0x0] =	wrdreg $0x60  }
0xae: {  	[dreg:$0x2] =	wrdreg s24  }
0xaf: {  	[dreg:$0x3] =	wrdreg $0x9  }
0xb0: {  	_ =	task.clear_ibuf [dreg:s6], $0x4FFFF;
	_ =	strace $0x90000046  }
0xb1: {  	s29 =	simm.s32 $0x9;
	_ =	strace $0x80000048  }
0xb2: {  	_ =	swait.ge [sflag:s29], $0x1  }
0xb3: {  	[sflag:s29] =	ssyncadd.s32 $0xFFFFFFFF  }
0xb4: {  	_ =	strace $0x90000048  }
0xb5: {  	_ =	sfence  }
0xb6: {  	s30 =	sld [smem:$0x0];
	_ =	sdelay $0x2  }
0xb7: {  	s31 =	sshll.u32 s1, $0xD;
	s1 =	sshrl.u32 s1, $0x2  }
0xb8: {  	s3 =	sand.u32 $0x4000, s31;
	s1 =	sadd.s32 s1, s30  }
0xb9: {  	s0 =	sor.u32 s3, s0;
	s1 =	sshll.u32 s1, $0x11  }
0xba: {  	s0 =	sor.u32 s1, s0  }
0xbb: {  	s0 =	sadd.s32 $0x8F2B, s0  }
0xbc: {  	[sflag:s0] =	ssyncadd.remote.s32 $0x1  }
0xbd: {  	_ =	sfence.sel $0xFFFF  }
0xbe: {  	[dreg:$0x0] =	wrdreg $0xFFFFFFFF;
	(pc) =	sbr.abs _section_cstart, $3  }
0xbf: {  	[dreg:$0x1] =	wrdreg $0xFFFFFFFF  }
0xc0: {  	_ =	task.clear_ibuf [dreg:s6], $0x2FFFF;
	_ =	strace $0x9FFFFFFF  }
0xc1: {  	(tm) =	ssettm $0x7FFFFFFF  }
tec
execute0_lowered:
.L_overlay_start_1:
0x0: {  	(tag) =	ssettag $0x1  }
0x1: {  	s4 =	rddreg [dreg:$0x0]  }
0x2: {  	s0 =	rddreg [dreg:$0x1];
	s2 =	simm.s32 $0x0;
	s1 =	srdreg.scid  }
0x3: {  	s10 =	simm.s32 $0x400;
	s11 =	simm.s32 $0x2400;
	s12 =	simm.s32 $0x0  }
0x4: {  	[smem:$0x7FF] =	sst s2;
	s3 =	sand.u32 $0x1, s1;
	s1 =	stileid.u32  }
0x5: {  	_ =	strace $0x80000047;
	s5 =	sshll.u32 s3, $0x6;
	s6 =	sshll.u32 s1, $0x1  }
0x6: {  	s7 =	ssub.s32 $0x2, s3;
	s5 =	sadd.s32 s5, s4;
	s6 =	sor.u32 s3, s6  }
0x7: {  	s3 =	sadd.s32 $0xA00, s4;
	s9 =	sshrl.u32 s7, $0x1;
	s8 =	sshll.u32 s6, $0x4  }
0x8: {  	s7 =	ssub.s32 s7, s9;
	s6 =	sshll.u32 s6, $0x6;
	s5 =	sadd.s32 $0x800, s5  }
0x9: {  	s9 =	simm.s32 $0x200;
	s8 =	sadd.s32 s8, s4;
	s4 =	sadd.s32 s4, s6  }
0xa: {  	s7 =	smax.u32 s7, $0x1;
	s6 =	sadd.s32 $0xE00, s8;
	s8 =	simm.s32 $0x1  }
.LBB2_1:
0xb: {  	[tilespmem:s2], [sflag:$0x1] =	stream.linear.gather [hbm4b:s4+s2], $0x200, $0x38;
	[tilespmem:$0x2480] =	vst v63  }
0xc: {  	_ =	swait.ge [sflag:s8], $0x200  }
0xd: {  	[sflag:s8] =	ssyncset.done $0x0  }
0xe: {  	[sflag:s8] =	ssyncadd.s32 $0xFFFFFE00  }
0xf: {  	[tilespmem:s9], [sflag:$0x1] =	stream.linear.gather [hbm4b:s5+s2], $0x200, $0x38;
	[tilespmem:$0x2480] =	vst v63  }
0x10: {  	_ =	swait.ge [sflag:s8], $0x200  }
0x11: {  	[sflag:s8] =	ssyncset.done $0x0  }
0x12: {  	[sflag:s8] =	ssyncadd.s32 $0xFFFFFE00  }
0x13: {  	[tilespmem:s10], [sflag:$0x1] =	stream.linear.gather [hbm4b:s3+s2], $0x2000, $0x38;
	[tilespmem:$0x2480] =	vst v63  }
0x14: {  	_ =	swait.ge [sflag:s8], $0x2000  }
0x15: {  	[sflag:s8] =	ssyncset.done $0x0  }
0x16: {  	s13 =	simm.s32 $0x0;
	[sflag:s8] =	ssyncadd.s32 $0xFFFFE000  }
0x17: {  	v2 =	vld [tilespmem:s13+$0x0];
	_ =	sdelay $0x6  }
0x18: {  	v1 =	vld [tilespmem:s13+$0x200]  }
0x19: {  	v0 =	vimm.f32 $0.0e+00;
	s14 =	simm.s32 $0x80;
	s13 =	simm.s32 $0x10;
	v2 =	vld.idx.msk [tilespmem:v2+s10+$0x0], $0xffff  }
.LBB2_2:
0x1a: {  	p0 =	sne.s32 s14, $0x7C0;
	v3 =	vld [tilespmem:s13+$0x0];
	_ =	sdelay $0x3  }
.Ltmp0:
0x1b: {  	(pc) =	sbr.rel @p0 .LBB2_2-.Ltmp0, $3  }
0x1c: {  	v2 =	vmul.f32 v2, v1;
	_ =	sdelay $0x1  }
0x1d: {  	v0 =	vadd.f32 v2, v0;
	v1 =	vld [tilespmem:s13+$0x200]  }
0x1e: {  	s13 =	sshra.s32 s14, $0x2;
	s14 =	sadd.s32 $0x40, s14;
	v2 =	vld.idx.msk [tilespmem:v3+s10+$0x0], $0xffff  }
0x1f: {  	v3 =	vld [tilespmem:s13+$0x0];
	_ =	sdelay $0x6  }
0x20: {  	v4 =	vld [tilespmem:s13+$0x200]  }
0x21: {  	v3 =	vld.idx.msk [tilespmem:v3+s10+$0x0], $0xffff;
	_ =	sdelay $0x2  }
0x22: {  	v1 =	vmul.f32 v2, v1;
	_ =	sdelay $0x1  }
0x23: {  	v0 =	vadd.f32 v1, v0;
	v63 =	vmul.f32 v3, v4;
	_ =	sdelay $0x1  }
0x24: {  	s12 =	sadd.s32 $0x1, s12;
	v0 =	vadd.f32 v63, v0  }
0x25: {  	p0 =	sne.s32 s12, s7  }
.Ltmp1:
0x26: {  	[tilespmem:$0x2400] =	vst v0;
	(pc) =	sbr.rel @p0 .LBB2_1-.Ltmp1, $4  }
0x27: {  	[hbm4b:s6+s2] =	stream.linear.scatter [tilespmem:s11], [sflag:$0x1], $0x80, $0x38;
	[tilespmem:$0x2480] =	vst v63  }
0x28: {  	_ =	swait.ge [sflag:s8], $0x80  }
0x29: {  	[sflag:s8] =	ssyncset.done $0x0  }
0x2a: {  	[sflag:s8] =	ssyncadd.s32 $0xFFFFFF80  }
0x2b: {  	_ =	sfence.sel $0x180000  }
0x2c: {  	[bflag:$0x0] =	sbarrier.arrive $0xFFFF  }
0x2d: {  	p0 =	sne.s32 s1, $0x0;
	_ =	strace $0x90000047  }
0x2e: {  	s0 =	sadd.s32 @!p0 $0x100000, s0;
	[bflag:$0x2] =	sbarrier.arrive $0xFFFF  }
0x2f: {  	[sflag:s0] =	ssyncadd.tile.s32 @!p0 $0x1;
	_ =	shalt  }
.Lfunc_end2:
_tile_overlayer_lowered:
.L_overlay_start_2:
0x30: {  	(tag) =	ssettag $0x2  }
0x31: {  	s0 =	rddreg [dreg:$0x0];
	s2 =	stileid.u32  }
0x32: {  	s1 =	rddreg [dreg:$0x1];
	p0 =	sne.s32 s2, $0x0  }
0x33: {  	s3 =	rddreg [dreg:$0x2];
	[bflag:$0x3] =	sbarrier.arrive $0xFFFF;
	s2 =	simm.s32 @!p0 $0x1C01  }
0x34: {  	[timem:s3], [sflag:s2] =	dma.local @!p0 [hbm:s0], s1  }
0x35: {  	s0 =	simm.s32 @!p0 $0x1  }
0x36: {  	_ =	swait.ge @!p0 [sflag:s0], s1  }
0x37: {  	s1 =	ssub.s32 @!p0 $0x0, s1;
	[sflag:s0] =	ssyncset.done @!p0 $0x0  }
0x38: {  	[sflag:s0] =	ssyncadd.s32 @!p0 s1  }
0x39: {  	[bflag:$0x3] =	sbarrier.arrive $0xFFFF  }
0x3a: {  	_ =	shalt  }

</sc_bundles>
